<compile_context>
chip_gen: v7x
topology: tpu7x:2x2x1
jax: 0.10.2.dev20260603
libtpu: 0.0.44.dev20260713+nightly
codegen_flags: <defaults>
</compile_context>

<pallas_src>
import jax
import jax.numpy as jnp
from jax.experimental import pallas as pl

_K = 300


def _copy_kernel(x_ref, o_ref):
    o_ref[...] = x_ref[...]


def kernel(pred_logits, pred_boxes, target_sizes):
    B, N, C = pred_logits.shape
    prob = jax.nn.sigmoid(pred_logits)
    topk_values, topk_indexes = jax.lax.top_k(prob.reshape(B, N * C), _K)
    topk_boxes = topk_indexes // C
    labels = topk_indexes % C
    cx, cy, w, h = jnp.split(pred_boxes, 4, axis=-1)
    boxes = jnp.concatenate(
        [cx - 0.5 * w, cy - 0.5 * h, cx + 0.5 * w, cy + 0.5 * h], axis=-1)
    boxes = jnp.take_along_axis(boxes, topk_boxes[:, :, None], axis=1)
    img_h = target_sizes[:, 0].astype(jnp.float32)
    img_w = target_sizes[:, 1].astype(jnp.float32)
    scale = jnp.stack([img_w, img_h, img_w, img_h], axis=1)
    boxes = boxes * scale[:, None, :]
    scores = pl.pallas_call(
        _copy_kernel,
        out_shape=jax.ShapeDtypeStruct((B, _K), jnp.float32),
    )(topk_values)
    return scores, labels, boxes

# --- scband reference (transcript-rebuilt; emitter-appended) ---
"""Pipeline reference for scband-post-process-46823733461734 (READ-ONLY COPY).

The authoritative reference and input builder live on the scoring server;
editing this copy changes nothing except your own understanding.
"""

import jax, jax.numpy as jnp
import numpy as np

NUM_SELECT = 300

def box_cxcywh_to_xyxy(x):
    cx, cy, w, h = jnp.split(x, 4, axis=-1)
    return jnp.concatenate([cx - 0.5 * w, cy - 0.5 * h, cx + 0.5 * w, cy + 0.5 * h], axis=-1)

def setup_inputs(seed: int = 0) -> dict:
    key = jax.random.key(seed)
    k1, k2, k3 = jax.random.split(key, 3)
    pred_logits = jax.random.normal(k1, (16, 20000, 91), dtype=jnp.float32)
    pred_boxes = jax.random.uniform(k2, (16, 20000, 4), dtype=jnp.float32)
    target_sizes = jax.random.randint(k3, (16, 2), 0, 1333, dtype=jnp.int32)
    return {"pred_logits": pred_logits, "pred_boxes": pred_boxes, "target_sizes": target_sizes}

def reference(pred_logits, pred_boxes, target_sizes):
    B, N, C = pred_logits.shape
    prob = jax.nn.sigmoid(pred_logits)
    topk_values, topk_indexes = jax.lax.top_k(prob.reshape(B, N * C), NUM_SELECT)
    scores = topk_values
    topk_boxes = topk_indexes // C
    labels = topk_indexes % C
    boxes = box_cxcywh_to_xyxy(pred_boxes)
    boxes = jnp.take_along_axis(boxes, topk_boxes[:, :, None], axis=1)
    img_h = target_sizes[:, 0].astype(jnp.float32)
    img_w = target_sizes[:, 1].astype(jnp.float32)
    scale = jnp.stack([img_w, img_h, img_w, img_h], axis=1)
    boxes = boxes * scale[:, None, :]
    return scores, labels, boxes

if __name__ == "__main__":
    import jax
    _d = setup_inputs()
    print(jax.jit(kernel)(*tuple(_d.values())))

</pallas_src>

<mosaic_0001>
module attributes {stable_mosaic.version = 14 : i64} {
  func.func @_copy_kernel(%arg0: memref<16x300xf32, #tpu.memory_space<vmem>>, %arg1: memref<16x300xf32, #tpu.memory_space<vmem>>) attributes {dimension_semantics = [], scalar_prefetch = 0 : i64, scratch_operands = 0 : i64, tpu.core_type = #tpu.core_type<tc>} {
    %get3A = arith.constant 0 : index
    %get3A_0 = arith.constant 0 : index
    %get3A_1 = vector.load %arg0[%get3A, %get3A_0] : memref<16x300xf32, #tpu.memory_space<vmem>>, vector<16x300xf32>
    %swap3A = arith.constant 0 : index
    %swap3A_2 = arith.constant 0 : index
    %swap3A_3 = vector.load %arg1[%swap3A, %swap3A_2] : memref<16x300xf32, #tpu.memory_space<vmem>>, vector<16x300xf32>
    tpu.vector_store %arg1[%swap3A, %swap3A_2], %get3A_1 {strides = array<i32>} : memref<16x300xf32, #tpu.memory_space<vmem>>, vector<16x300xf32>,
    return
  }
}

</mosaic_0001>

<sc_bundles>
// kernel: gather_offload_async_start
scs
__scs_entry_jumppad:
0x0: {  	(pc) =	sbr.rel $0x88, $3  }
0x1: {  	(tag) =	ssettag $0x0;
	lr =	simm.s32 $0x1  }
0x2: {  	[smem:$0x3F9E] =	sst lr;
	_ =	strace $0xD0000000  }
0x3: {  	_ = 	snop  }
0x4: {  	_ = 	snop  }
0x5: {  	_ = 	snop  }
0x6: {  	_ = 	snop  }
0x7: {  	_ = 	snop  }
__scs_overlays_trampoline_lowered:
0x8: {  	[smem:$0x3FAD] =	sst s0  }
0x9: {  	[smem:$0x3FAE] =	sst s1  }
0xa: {  	[smem:$0x3FAF] =	sst s2  }
0xb: {  	[smem:$0x3FB0] =	sst s3  }
0xc: {  	[smem:$0x3FB1] =	sst s4  }
0xd: {  	[smem:$0x3FB2] =	sst s5  }
0xe: {  	[smem:$0x3FB3] =	sst s6  }
0xf: {  	[smem:$0x3FB4] =	sst s7  }
0x10: {  	[smem:$0x3FB5] =	sst s8  }
0x11: {  	[smem:$0x3FB6] =	sst s9;
	s0 =	simm.s32 @!p0 $0x0  }
0x12: {  	s1 =	sld [smem:$0x3F9C];
	s0 =	simm.s32 @p0 $0x1  }
0x13: {  	[smem:$0x3FB7] =	sst s0;
	s0 =	simm.s32 @!p1 $0x0  }
0x14: {  	s2 =	sld [smem:$0x3F9B];
	s0 =	simm.s32 @p1 $0x1  }
0x15: {  	[smem:$0x3FB8] =	sst s0;
	s0 =	simm.s32 @!p2 $0x0  }
0x16: {  	s3 =	sld [smem:$0x3FDB];
	s0 =	simm.s32 @p2 $0x1  }
0x17: {  	s4 =	simm.s32 $0x1BF5;
	[smem:$0x3FBA] =	sst s0  }
0x18: {  	s0 =	sld [smem:$0x3F9D];
	_ =	swait.ge [sflag:s4], $0x0  }
0x19: {  	s7 =	sld [smem:$0x3F9E]  }
0x1a: {  	s8 =	sadd.s32 $0xFFFFE003, lr  }
0x1b: {  	s9 =	sadd.s32 $0xFFFFFEF7, lr;
	s5 =	simm.s32 $0xFFFFFFFF;
	p2 =	slt.u32 s8, $0xFFFFF086  }
0x1c: {  	p1 =	slt.u32 s9, $0xF7A;
	s5 =	simm.s32 @!p2 $0x0  }
0x1d: {  	s5 =	simm.s32 @p1 $0x1;
	p0 =	seq.s32 s7, s2  }
0x1e: {  	s7 =	smul.u32 @!p0 $0xF7A, s2;
	p2 =	seq.s32 @!p0 s5, $0x0  }
0x1f: {  	s9 =	smul.u32 $0xF7A, s1;
	s8 =	simm.s32 @!p0 $0x1BF5;
	p2 =	por !p2, p0  }
0x20: {  	[sflag:s8] =	ssyncset.s32 @!p0 $0xFFFFF086;
	s6 =	sadd.s32 @!p0 s3, s7;
	s7 =	simm.s32 @!p0 $0x108  }
0x21: {  	s3 =	sadd.s32 s3, s9;
	s6 =	sadd.s32 @!p0 $0x88, s6;
	s7 =	simm.s32 @p2 $0x1082  }
0x22: {  	[simem:s7], [sflag:s8] =	dma.local @!p0 [hbm:s6], $0xF7A  }
0x23: {  	s9 =	sor.u32 $0xD0000000, s2;
	s6 =	simm.s32 $0x108;
	_ =	swait.ge @!p0 [sflag:s8], $0x0  }
0x24: {  	s3 =	sadd.s32 $0x88, s3;
	s6 =	simm.s32 @!p1 $0x1082;
	[sflag:s4] =	ssyncset.s32 $0xFFFFF086  }
0x25: {  	[simem:s6], [sflag:s4] =	dma.local [hbm:s3], $0xF7A  }
0x26: {  	[smem:$0x3F9E] =	sst s1;
	(tag) =	ssettag s2;
	_ =	strace s9  }
0x27: {  	s1 =	sld [smem:$0x3FAE]  }
0x28: {  	s2 =	sld [smem:$0x3FAF]  }
0x29: {  	s4 =	sld [smem:$0x3FB1]  }
0x2a: {  	p0 =	seq.s32 s5, $0x0;
	s5 =	sld [smem:$0x3FB2]  }
0x2b: {  	s6 =	sld [smem:$0x3FB3]  }
0x2c: {  	s7 =	sld [smem:$0x3FB4]  }
0x2d: {  	s3 =	simm.s32 $0x108;
	s8 =	sld [smem:$0x3FB5]  }
0x2e: {  	s3 =	simm.s32 @!p0 $0x1082;
	s9 =	sld [smem:$0x3FB6]  }
0x2f: {  	lr =	sadd.s32 s0, s3;
	s0 =	sld [smem:$0x3FAD]  }
0x30: {  	s3 =	sld [smem:$0x3FB0]  }
0x31: {  	[smem:$0x3FB9] =	sst s10  }
0x32: {  	s10 =	sld [smem:$0x3FB7];
	_ =	sdelay $0x3  }
0x33: {  	p0 =	seq.s32 s10, $0x1;
	s10 =	sld [smem:$0x3FB9];
	_ =	sdelay $0x3  }
0x34: {  	[smem:$0x3FB9] =	sst s10  }
0x35: {  	s10 =	sld [smem:$0x3FB8];
	_ =	sdelay $0x3  }
0x36: {  	p1 =	seq.s32 s10, $0x1;
	s10 =	sld [smem:$0x3FB9];
	_ =	sdelay $0x3  }
0x37: {  	[smem:$0x3FB9] =	sst s10  }
0x38: {  	s10 =	sld [smem:$0x3FBA]  }
0x39: {  	_ = 	snop;
	(pc) =	sbr.ind lr, $3  }
0x3a: {  	_ = 	snop  }
0x3b: {  	_ = 	snop  }
0x3c: {  	p2 =	seq.s32 s10, $0x1;
	s10 =	sld [smem:$0x3FB9]  }
0x3d: {  	_ =	shalt  }
0x3e: {  	_ =	shalt  }
0x3f: {  	_ =	shalt  }
0x40: {  	_ =	shalt  }
0x41: {  	_ =	shalt  }
0x42: {  	_ =	shalt  }
0x43: {  	_ =	shalt  }
0x44: {  	_ =	shalt  }
0x45: {  	_ =	shalt  }
0x46: {  	_ =	shalt  }
0x47: {  	_ =	shalt  }
0x48: {  	_ =	shalt  }
0x49: {  	_ =	shalt  }
0x4a: {  	_ =	shalt  }
0x4b: {  	_ =	shalt  }
0x4c: {  	_ =	shalt  }
0x4d: {  	_ =	shalt  }
0x4e: {  	_ =	shalt  }
0x4f: {  	_ =	shalt  }
0x50: {  	_ =	shalt  }
0x51: {  	_ =	shalt  }
0x52: {  	_ =	shalt  }
0x53: {  	_ =	shalt  }
0x54: {  	_ =	shalt  }
0x55: {  	_ =	shalt  }
0x56: {  	_ =	shalt  }
0x57: {  	_ =	shalt  }
0x58: {  	_ =	shalt  }
0x59: {  	_ =	shalt  }
0x5a: {  	_ =	shalt  }
0x5b: {  	_ =	shalt  }
0x5c: {  	_ =	shalt  }
0x5d: {  	_ =	shalt  }
0x5e: {  	_ =	shalt  }
0x5f: {  	_ =	shalt  }
0x60: {  	_ =	shalt  }
0x61: {  	_ =	shalt  }
0x62: {  	_ =	shalt  }
0x63: {  	_ =	shalt  }
0x64: {  	_ =	shalt  }
0x65: {  	_ =	shalt  }
0x66: {  	_ =	shalt  }
0x67: {  	_ =	shalt  }
0x68: {  	_ =	shalt  }
0x69: {  	_ =	shalt  }
0x6a: {  	_ =	shalt  }
0x6b: {  	_ =	shalt  }
0x6c: {  	_ =	shalt  }
0x6d: {  	_ =	shalt  }
0x6e: {  	_ =	shalt  }
0x6f: {  	_ =	shalt  }
0x70: {  	_ =	shalt  }
0x71: {  	_ =	shalt  }
0x72: {  	_ =	shalt  }
0x73: {  	_ =	shalt  }
0x74: {  	_ =	shalt  }
0x75: {  	_ =	shalt  }
0x76: {  	_ =	shalt  }
0x77: {  	_ =	shalt  }
0x78: {  	_ =	shalt  }
0x79: {  	_ =	shalt  }
0x7a: {  	_ =	shalt  }
0x7b: {  	_ =	shalt  }
0x7c: {  	_ =	shalt  }
0x7d: {  	_ =	shalt  }
0x7e: {  	_ =	shalt  }
0x7f: {  	_ =	shalt  }
0x80: {  	_ =	shalt  }
0x81: {  	_ =	shalt  }
0x82: {  	_ =	shalt  }
0x83: {  	_ =	shalt  }
0x84: {  	_ =	shalt  }
0x85: {  	_ =	shalt  }
0x86: {  	_ =	shalt  }
0x87: {  	_ =	shalt  }
.Lfunc_end0:
.L_simem_size_0:
called_computation.1_lowered:
.L_overlay_start_0:
0x88: {  	s2 =	sld [smem:$0x3FD9]  }
0x89: {  	s3 =	sld [smem:$0x3FFE];
	_ =	sdelay $0x1  }
0x8a: {  	s1 =	srdreg.scid  }
0x8b: {  	s0 =	sand.u32 $0x1, s1  }
0x8c: {  	s14 =	sshll.u32 s0, $0xA;
	s2 =	sadd.s32 s3, s2  }
0x8d: {  	s2 =	sadd.s32 s2, s14  }
0x8e: {  	[smem:$0x3FC5] =	sst s2  }
0x8f: {  	_ = 	snop  }
0x90: {  	s2 =	sld [smem:$0x3FD0];
	_ =	sdelay $0x2  }
0x91: {  	s15 =	simm.s32 $0xA;
	s4 =	simm.s32 $0x10  }
0x92: {  	[smem:s4], [sflag:s15] =	dma.local [hbm:s2], $0x1  }
0x93: {  	_ =	swait.eq [sflag:s15], $0x1  }
0x94: {  	[sflag:s15] =	ssyncset.done $0x0  }
0x95: {  	[sflag:s15] =	ssyncadd.s32 $0xFFFFFFFF  }
0x96: {  	s16 =	sld [smem:$0x12];
	(tm) =	ssettm $0x1  }
0x97: {  	s17 =	sld [smem:$0x3FFB];
	_ =	sdelay $0x3  }
0x98: {  	_ =	strace s17  }
0x99: {  	s3 =	sld [smem:$0x3FFC];
	_ =	sdelay $0x3  }
0x9a: {  	_ =	strace s3  }
0x9b: {  	s3 =	sld [smem:$0x3FFD];
	_ =	sdelay $0x3  }
0x9c: {  	_ =	strace s3  }
0x9d: {  	_ =	strace $0x8FFFFFFF  }
0x9e: {  	s18 =	sld [smem:$0x3FDB];
	_ =	sdelay $0x1  }
0x9f: {  	s19 =	simm.s32 $_scs_section_size  }
0xa0: {  	s5 =	simm.s32 $_size__tile_overlayer_lowered;
	s6 =	simm.s32 $_tile_overlayer_lowered  }
0xa1: {  	s22 =	simm.s32 $0x1BFF;
	s21 =	sshll.u32 s6, $0x1;
	s3 =	sadd.s32 s19, s18  }
0xa2: {  	s7 =	simm.s32 $0x0;
	s20 =	sshll.u32 s5, $0x1;
	s5 =	sadd.s32 s21, s3  }
0xa3: {  	[timem:s7], [sflag:s22] =	dma.local [hbm:s5], s20  }
0xa4: {  	_ =	swait.ge [sflag:s22], s20  }
0xa5: {  	s4 =	ssub.s32 $0x0, s20;
	[sflag:s22] =	ssyncset.done $0x0  }
0xa6: {  	[sflag:s22] =	ssyncadd.s32 s4;
	_ =	sdelay $0x1  }
0xa7: {  	s23 =	simm.s32 $0x1B8B  }
0xa8: {  	_ =	swait.ge [sflag:s23], $0x1  }
0xa9: {  	[sflag:s23] =	ssyncset.done $0x0  }
0xaa: {  	s25 =	simm.s32 $0x1B8E;
	s24 =	sld [smem:$0x3FFE];
	[sflag:s23] =	ssyncadd.s32 $0xFFFFFFFF  }
0xab: {  	s26 =	simm.s32 $execute0_lowered;
	[smem:$0x3FD2] =	sst s25  }
0xac: {  	s5 =	sshll.u32 s26, $0x1;
	_ =	strace $0x80000049;
	[dreg:$0x1] =	wrdreg $0xFFFFFFFF  }
0xad: {  	s28 =	simm.s32 $_size_execute0_lowered;
	s3 =	sadd.s32 s3, s5;
	[dreg:$0x0] =	wrdreg $0x0  }
0xae: {  	s5 =	sshll.u32 s28, $0x1;
	[dreg:$0x2] =	wrdreg s3  }
0xaf: {  	[dreg:$0x3] =	wrdreg s5  }
0xb0: {  	[dreg:$0x4] =	wrdreg $0xC0  }
0xb1: {  	_ =	task [dreg:s7], $0x5FFFF  }
0xb2: {  	[dreg:$0x1] =	wrdreg $0xFFFFFFFF  }
0xb3: {  	[dreg:$0x0] =	wrdreg $0x60  }
0xb4: {  	[dreg:$0x2] =	wrdreg s24  }
0xb5: {  	[dreg:$0x3] =	wrdreg s16  }
0xb6: {  	[dreg:$0x4] =	wrdreg $0x9  }
0xb7: {  	_ =	task.clear_ibuf [dreg:s7], $0x5FFFF;
	_ =	strace $0x90000049  }
0xb8: {  	s29 =	simm.s32 $0x9;
	_ =	strace $0x8000004B  }
0xb9: {  	_ =	swait.ge [sflag:s29], $0x1  }
0xba: {  	[sflag:s29] =	ssyncadd.s32 $0xFFFFFFFF  }
0xbb: {  	_ =	strace $0x9000004B  }
0xbc: {  	_ =	sfence  }
0xbd: {  	s30 =	sld [smem:$0x0];
	_ =	sdelay $0x2  }
0xbe: {  	s31 =	sshll.u32 s1, $0xD;
	s1 =	sshrl.u32 s1, $0x2  }
0xbf: {  	s3 =	sand.u32 $0x4000, s31;
	s1 =	sadd.s32 s1, s30  }
0xc0: {  	s0 =	sor.u32 s3, s0;
	s1 =	sshll.u32 s1, $0x11  }
0xc1: {  	s0 =	sor.u32 s1, s0  }
0xc2: {  	s0 =	sadd.s32 $0x8F2B, s0  }
0xc3: {  	[sflag:s0] =	ssyncadd.remote.s32 $0x1  }
0xc4: {  	_ =	sfence.sel $0xFFFF  }
0xc5: {  	[dreg:$0x0] =	wrdreg $0xFFFFFFFF;
	(pc) =	sbr.abs _section_cstart, $3  }
0xc6: {  	[dreg:$0x1] =	wrdreg $0xFFFFFFFF  }
0xc7: {  	_ =	task.clear_ibuf [dreg:s7], $0x2FFFF;
	_ =	strace $0x9FFFFFFF  }
0xc8: {  	(tm) =	ssettm $0x7FFFFFFF  }
0xc9: {  	_ =	shalt  }
tec
execute0_lowered:
.L_overlay_start_1:
0x0: {  	(tag) =	ssettag $0x1  }
0x1: {  	s5 =	rddreg [dreg:$0x0];
	s0 =	srdreg.scid  }
0x2: {  	s2 =	rddreg [dreg:$0x1];
	s1 =	stileid.u32;
	s6 =	simm.s32 $0x1  }
0x3: {  	s9 =	simm.s32 $0x1;
	s10 =	simm.s32 $0x3;
	s3 =	sshll.u32 s0, $0x7  }
0x4: {  	s13 =	simm.s32 $0x0;
	s4 =	sshll.u32 s1, $0x8;
	s3 =	sand.u32 $0x80, s3  }
0x5: {  	s0 =	rddreg [dreg:$0x2];
	_ =	strace $0x8000004A;
	s3 =	sor.u32 s4, s3  }
0x6: {  	s12 =	simm.s32 $0x0;
	[sflag:s6] =	ssyncpa.u1 $0x0;
	s8 =	ssub.s32 $0x1300, s3  }
.Ltmp0:
0x7: {  	s4 =	sadd.s32 $0xBD7E00, s5;
	s7 =	sand.u32 $0xF80, s8;
	(pc) =	sbr.rel .LBB2_1-.Ltmp0, $4  }
0x8: {  	s5 =	sadd.s32 $0x400, s5;
	s11 =	smov.u32 s3;
	p0 =	sne.s32 s7, $0x0  }
0x9: {  	s8 =	sshrl.u32 s8, $0xC;
	s7 =	simm.s32 $0x2;
	s9 =	simm.s32 @!p0 $0x0  }
0xa: {  	[sflag:s7] =	ssyncpa.u1 $0x0;
	p0 =	por $0x0, $0x0;
	s8 =	sadd.s32 s9, s8  }
0xb: {  	vm0 =	vmmov $0xffff;
	v0 =	vlaneseq.u32;
	[sflag:s10] =	ssyncpa.u1 $0x0;
	s10 =	simm.s32 $0x0;
	s9 =	sadd.s32 $0x1, s8  }
.LBB2_4:
0xc: {  	_ =	sdelay $0x3  }
0xd: {  	[tilespmem:s21], [sflag:$0x1] =	stream.indirect_vreg.gather [hbm4b:s4+s10], $0x1, v1, vm0, $0x4038;
	[tilespmem:$0x500] =	vst v63  }
0xe: {  	s15 =	sadd.s32 s17, s15  }
0xf: {  	v1 =	vld.msk [tilespmem:s15+$0x0 ss:$0x1], $0xffff;
	_ =	sdelay $0x4  }
0x10: {  	v2 =	vshrl.u32 v1, $0x4  }
0x11: {  	v3 =	vand.u32 $0xF, v1;
	vm1 =	veq.s32 v1, $0x80000000;
	v1 =	vand.u32 $0x7FFF, v2  }
0x12: {  	p1 =	sgt.s32 s18, $0x0;
	v2 =	vmul.u32 $0x13A00, v3;
	v1 =	vsel vm1, $0xFFFFFFFF, v1  }
0x13: {  	s18 =	simm.s32 @!p1 $0x0;
	v3 =	vshll.u32 v1, $0x2  }
0x14: {  	s26 =	smin.u32 s18, $0x10;
	v2 =	vsel vm1, $0xFFFEC600, v2;
	v3 =	vand.u32 $0xFFFFFE00, v3  }
0x15: {  	v1 =	vand.u32 $0x7F, v1;
	v2 =	vadd.s32 v2, v3;
	v3 =	vmov s26  }
0x16: {  	v1 =	vor.u32 v1, v2;
	vm1 =	vgt.u32 v3, v0  }
0x17: {  	v2 =	vnsel vm1, $0x7FFFFFFF, v1;
	_ =	sdelay $0x1  }
0x18: {  	v3 =	vor.u32 $0x80, v1  }
0x19: {  	(ifvalue) =	ssetifvalue $0x7FFFFFFF;
	v3 =	vnsel vm1, $0x7FFFFFFF, v3  }
0x1a: {  	s28 =	sadd.s32 s17, s16;
	(ifvalue) =	ssetifvalue $0x7FFFFFFF  }
0x1b: {  	v4 =	vor.u32 $0x100, v1;
	[tilespmem:s28], [sflag:$0x1] =	stream.indirect_vreg.gather [hbm4b:s4+s10], $0x1, v2, vm0, $0x4038;
	[tilespmem:$0x500] =	vst v63  }
0x1c: {  	(ifvalue) =	ssetifvalue $0x7FFFFFFF;
	v2 =	vnsel vm1, $0x7FFFFFFF, v4  }
0x1d: {  	s16 =	sadd.s32 $0x80, s28;
	(ifvalue) =	ssetifvalue $0x7FFFFFFF  }
0x1e: {  	v1 =	vor.u32 $0x180, v1;
	[tilespmem:s16], [sflag:$0x1] =	stream.indirect_vreg.gather [hbm4b:s4+s10], $0x1, v3, vm0, $0x4038;
	[tilespmem:$0x500] =	vst v63  }
0x1f: {  	v1 =	vnsel vm1, $0x7FFFFFFF, v1;
	(ifvalue) =	ssetifvalue $0x7FFFFFFF  }
0x20: {  	s29 =	sadd.s32 $0x100, s28;
	(ifvalue) =	ssetifvalue $0x7FFFFFFF  }
0x21: {  	[tilespmem:s29], [sflag:$0x1] =	stream.indirect_vreg.gather [hbm4b:s4+s10], $0x1, v2, vm0, $0x4038;
	[tilespmem:$0x500] =	vst v63  }
0x22: {  	(ifvalue) =	ssetifvalue $0x7FFFFFFF  }
0x23: {  	s30 =	sshll.u32 s13, $0x2;
	s15 =	sadd.s32 $0x180, s28;
	(ifvalue) =	ssetifvalue $0x7FFFFFFF  }
0x24: {  	[tilespmem:s15], [sflag:$0x1] =	stream.indirect_vreg.gather [hbm4b:s4+s10], $0x1, v1, vm0, $0x4038;
	[tilespmem:$0x500] =	vst v63  }
0x25: {  	s31 =	sand.u32 $0x78, s13;
	s15 =	sand.u32 $0xFFFFFE00, s30  }
0x26: {  	_ =	swait.ge [sflag:s6], $0x200;
	s13 =	sor.u32 s31, s15  }
0x27: {  	[sflag:s6] =	ssyncset.done $0x0;
	s13 =	sshrl.u32 s13, $0x3  }
0x28: {  	[sflag:s6] =	ssyncadd.s32 $0xFFFFFE00;
	s13 =	sadd.s32 s2, s13  }
0x29: {  	[hbm:s13] =	stream.linear.scatter [tilespmem:s14], [sflag:$0x3], $0x200, $0x38;
	[tilespmem:$0x500] =	vst v63  }
.LBB2_5:
0x2a: {  	s15 =	sadd.s32 $0x1000, s11  }
0x2b: {  	p2 =	sgt.s32 s15, $0x12FF  }
0x2c: {  	s15 =	smov.u32 @p2 s3;
	p2 =	sne.s32 s12, s9  }
.Ltmp1:
0x2d: {  	p1 =	slt.u32 s12, $0x2;
	(pc) =	sbr.rel @!p2 .LBB2_6-.Ltmp1, $4  }
0x2e: {  	s14 =	simm.s32 @!p1 $0x3  }
0x2f: {  	s16 =	sadd.s32 $0x1, s12;
	_ =	swait.ge @!p1 [sflag:s14], $0x200  }
0x30: {  	s13 =	smov.u32 s11;
	p0 =	por !p0, !p0;
	[sflag:s14] =	ssyncset.done @!p1 $0x0  }
0x31: {  	s12 =	smov.u32 s16;
	s11 =	smov.u32 s15;
	[sflag:s14] =	ssyncadd.s32 @!p1 $0xFFFFFE00  }
.LBB2_1:
0x32: {  	p1 =	sge.u32 s12, s8  }
0x33: {  	s14 =	sxor.u32 @!p1 $0xFFFFFFFF, s12  }
0x34: {  	s31 =	sadd.s32 $0xFFFFFFFF, s12;
	s15 =	sshrl.u32 @!p1 s11, $0x3;
	s14 =	sshll.u32 @!p1 s14, $0x7  }
0x35: {  	s16 =	sand.u32 @!p1 $0x7, s11;
	s15 =	sadd.s32 @!p1 s5, s15;
	s14 =	sand.u32 @!p1 $0x80, s14  }
0x36: {  	[tilespmem:s14], [sflag:$0x2] =	stream.linear.gather @!p1 [hbm4b:s15+s16], $0x80, $0x38;
	[tilespmem:$0x500] =	vst v63  }
0x37: {  	p1 =	sge.u32 s31, s8  }
.Ltmp2:
0x38: {  	_ = 	snop;
	(pc) =	sbr.rel @p1 .LBB2_5-.Ltmp2, $1  }
0x39: {  	_ =	sdelay $0x3  }
0x3a: {  	s14 =	simm.s32 $0x1  }
0x3b: {  	_ =	swait.ge [sflag:s7], $0x80;
	s14 =	simm.s32 @!p0 $0x0  }
0x3c: {  	[sflag:s7] =	ssyncset.done $0x0;
	s15 =	sshll.u32 s14, $0x7  }
0x3d: {  	[sflag:s7] =	ssyncadd.s32 $0xFFFFFF80;
	s16 =	sadd.s32 $0x0, s15  }
0x3e: {  	v1 =	vld.msk [tilespmem:s16+$0x0 ss:$0x1], $0xffff;
	_ =	sdelay $0x3  }
0x3f: {  	s18 =	ssub.s32 $0x12C0, s13  }
0x40: {  	p1 =	slt.s32 s18, $0x80;
	v2 =	vshrl.u32 v1, $0x4  }
0x41: {  	s18 =	simm.s32 @!p1 $0x80;
	v3 =	vand.u32 $0xF, v1;
	vm1 =	veq.s32 v1, $0x80000000;
	v1 =	vand.u32 $0x7FFF, v2  }
0x42: {  	p1 =	sgt.s32 s18, $0x0;
	s16 =	smov.u32 s18;
	v2 =	vmul.u32 $0x13A00, v3;
	v1 =	vsel vm1, $0xFFFFFFFF, v1  }
0x43: {  	s16 =	simm.s32 @!p1 $0x0;
	v3 =	vshll.u32 v1, $0x2  }
0x44: {  	s16 =	smin.u32 s16, $0x10;
	v2 =	vsel vm1, $0xFFFEC600, v2;
	v3 =	vand.u32 $0xFFFFFE00, v3  }
0x45: {  	v1 =	vand.u32 $0x7F, v1;
	v2 =	vadd.s32 v2, v3;
	v3 =	vmov s16  }
0x46: {  	v1 =	vor.u32 v1, v2;
	vm1 =	vgt.u32 v3, v0  }
0x47: {  	v2 =	vnsel vm1, $0x7FFFFFFF, v1;
	_ =	sdelay $0x1  }
0x48: {  	s14 =	sshll.u32 s14, $0x9;
	v3 =	vor.u32 $0x80, v1  }
0x49: {  	(ifvalue) =	ssetifvalue $0x7FFFFFFF;
	s16 =	sor.u32 $0x100, s14;
	v3 =	vnsel vm1, $0x7FFFFFFF, v3  }
0x4a: {  	(ifvalue) =	ssetifvalue $0x7FFFFFFF;
	s19 =	sadd.s32 $0x0, s16  }
0x4b: {  	v4 =	vor.u32 $0x100, v1;
	[tilespmem:s19], [sflag:$0x1] =	stream.indirect_vreg.gather [hbm4b:s4+s10], $0x1, v2, vm0, $0x4038;
	[tilespmem:$0x500] =	vst v63  }
0x4c: {  	(ifvalue) =	ssetifvalue $0x7FFFFFFF;
	v2 =	vnsel vm1, $0x7FFFFFFF, v4  }
0x4d: {  	s17 =	sadd.s32 $0x80, s19;
	(ifvalue) =	ssetifvalue $0x7FFFFFFF  }
0x4e: {  	v1 =	vor.u32 $0x180, v1;
	[tilespmem:s17], [sflag:$0x1] =	stream.indirect_vreg.gather [hbm4b:s4+s10], $0x1, v3, vm0, $0x4038;
	[tilespmem:$0x500] =	vst v63  }
0x4f: {  	s30 =	sshll.u32 s12, $0x9;
	s20 =	simm.s32 $0x80;
	v1 =	vnsel vm1, $0x7FFFFFFF, v1;
	(ifvalue) =	ssetifvalue $0x7FFFFFFF  }
0x50: {  	s14 =	sand.u32 $0x200, s30;
	s31 =	sadd.s32 $0x100, s19;
	(ifvalue) =	ssetifvalue $0x7FFFFFFF  }
0x51: {  	[tilespmem:s31], [sflag:$0x1] =	stream.indirect_vreg.gather [hbm4b:s4+s10], $0x1, v2, vm0, $0x4038;
	[tilespmem:$0x500] =	vst v63  }
0x52: {  	s18 =	sadd.s32 $0xFFFFFFF0, s18;
	s14 =	sor.u32 $0x100, s14;
	(ifvalue) =	ssetifvalue $0x7FFFFFFF  }
0x53: {  	s21 =	sadd.s32 $0x180, s19;
	s17 =	simm.s32 $0x10;
	(ifvalue) =	ssetifvalue $0x7FFFFFFF  }
.LBB2_3:
0x54: {  	[tilespmem:s21], [sflag:$0x1] =	stream.indirect_vreg.gather [hbm4b:s4+s10], $0x1, v1, vm0, $0x4038;
	[tilespmem:$0x500] =	vst v63  }
0x55: {  	s19 =	smov.u32 s20  }
0x56: {  	s22 =	sadd.s32 s17, s15;
	s21 =	sshra.s32 s19, $0x2;
	s19 =	sadd.s32 $0x40, s20  }
0x57: {  	p1 =	sne.s32 s20, $0x1C0;
	v1 =	vld.msk [tilespmem:s22+$0x0 ss:$0x1], $0xffff  }
0x58: {  	(ifvalue) =	ssetifvalue $0x7FFFFFFF;
	_ =	sdelay $0x4  }
0x59: {  	v2 =	vand.u32 $0xF, v1;
	v3 =	vshrl.u32 v1, $0x4  }
0x5a: {  	vm1 =	veq.s32 v1, $0x80000000;
	v1 =	vand.u32 $0x7FFF, v3;
	v2 =	vmul.u32 $0x13A00, v2  }
0x5b: {  	p2 =	sgt.s32 s18, $0x0;
	s20 =	smov.u32 s18;
	v1 =	vsel vm1, $0xFFFFFFFF, v1  }
0x5c: {  	s20 =	simm.s32 @!p2 $0x0;
	v2 =	vsel vm1, $0xFFFEC600, v2;
	v3 =	vshll.u32 v1, $0x2  }
0x5d: {  	s20 =	smin.u32 s20, $0x10;
	v3 =	vand.u32 $0xFFFFFE00, v3  }
0x5e: {  	v1 =	vand.u32 $0x7F, v1;
	v2 =	vadd.s32 v2, v3;
	v3 =	vmov s20  }
0x5f: {  	v1 =	vor.u32 v1, v2;
	vm1 =	vgt.u32 v3, v0  }
0x60: {  	v2 =	vnsel vm1, $0x7FFFFFFF, v1;
	v3 =	vor.u32 $0x80, v1;
	v4 =	vor.u32 $0x100, v1  }
0x61: {  	v1 =	vor.u32 $0x180, v1;
	_ =	sdelay $0x1  }
0x62: {  	v3 =	vnsel vm1, $0x7FFFFFFF, v3  }
0x63: {  	s20 =	sadd.s32 s17, s16;
	s17 =	smov.u32 s21;
	(ifvalue) =	ssetifvalue $0x7FFFFFFF  }
0x64: {  	[tilespmem:s20], [sflag:$0x1] =	stream.indirect_vreg.gather [hbm4b:s4+s10], $0x1, v2, vm0, $0x4038;
	[tilespmem:$0x500] =	vst v63  }
0x65: {  	v2 =	vnsel vm1, $0x7FFFFFFF, v4;
	(ifvalue) =	ssetifvalue $0x7FFFFFFF  }
0x66: {  	s21 =	sadd.s32 $0x80, s20;
	(ifvalue) =	ssetifvalue $0x7FFFFFFF  }
0x67: {  	[tilespmem:s21], [sflag:$0x1] =	stream.indirect_vreg.gather [hbm4b:s4+s10], $0x1, v3, vm0, $0x4038;
	[tilespmem:$0x500] =	vst v63  }
.Ltmp3:
0x68: {  	v1 =	vnsel vm1, $0x7FFFFFFF, v1;
	(ifvalue) =	ssetifvalue $0x7FFFFFFF;
	(pc) =	sbr.rel @p1 .LBB2_3-.Ltmp3, $4  }
0x69: {  	s21 =	sadd.s32 $0x100, s20;
	(ifvalue) =	ssetifvalue $0x7FFFFFFF  }
0x6a: {  	[tilespmem:s21], [sflag:$0x1] =	stream.indirect_vreg.gather [hbm4b:s4+s10], $0x1, v2, vm0, $0x4038;
	[tilespmem:$0x500] =	vst v63  }
0x6b: {  	s18 =	sadd.s32 $0xFFFFFFF0, s18;
	(ifvalue) =	ssetifvalue $0x7FFFFFFF  }
0x6c: {  	s21 =	sadd.s32 $0x180, s20;
	s20 =	smov.u32 s19;
	(ifvalue) =	ssetifvalue $0x7FFFFFFF  }
.Ltmp4:
0x6d: {  	_ = 	snop;
	(pc) =	sbr.rel .LBB2_4-.Ltmp4, $1  }
0x6e: {  	_ =	sdelay $0x3  }
.LBB2_6:
0x6f: {  	_ =	sfence.sel $0x180000  }
0x70: {  	s2 =	simm.s32 $0x2;
	[bflag:$0x0] =	sbarrier.arrive $0xFFFF  }
0x71: {  	s30 =	simm.s32 $0x3;
	[sflag:s2] =	ssyncpa.u1 $0x1  }
0x72: {  	s31 =	simm.s32 $0x1;
	[sflag:s30] =	ssyncpa.u1 $0x1  }
0x73: {  	[sflag:s31] =	ssyncpa.u1 $0x1  }
0x74: {  	p0 =	sne.s32 s1, $0x0;
	_ =	strace $0x9000004A  }
0x75: {  	s0 =	sadd.s32 @!p0 $0x100000, s0;
	[bflag:$0x2] =	sbarrier.arrive $0xFFFF  }
0x76: {  	[sflag:s0] =	ssyncadd.tile.s32 @!p0 $0x1;
	_ =	shalt  }
.Lfunc_end2:
_tile_overlayer_lowered:
.L_overlay_start_2:
0x77: {  	(tag) =	ssettag $0x2  }
0x78: {  	s0 =	rddreg [dreg:$0x0];
	s2 =	stileid.u32  }
0x79: {  	s1 =	rddreg [dreg:$0x1];
	p0 =	sne.s32 s2, $0x0  }
0x7a: {  	s3 =	rddreg [dreg:$0x2];
	[bflag:$0x3] =	sbarrier.arrive $0xFFFF;
	s2 =	simm.s32 @!p0 $0x1C01  }
0x7b: {  	[timem:s3], [sflag:s2] =	dma.local @!p0 [hbm:s0], s1  }
0x7c: {  	s0 =	simm.s32 @!p0 $0x1  }
0x7d: {  	_ =	swait.ge @!p0 [sflag:s0], s1  }
0x7e: {  	s1 =	ssub.s32 @!p0 $0x0, s1;
	[sflag:s0] =	ssyncset.done @!p0 $0x0  }
0x7f: {  	[sflag:s0] =	ssyncadd.s32 @!p0 s1  }
0x80: {  	[bflag:$0x3] =	sbarrier.arrive $0xFFFF  }
0x81: {  	_ =	shalt  }

// kernel: sparse-core-data-format-call.cloned.1.call-start
scs
called_computation_lowered:
.L_overlay_start_0:
0x0: {  	s1 =	sld [smem:$0x3FD9]  }
0x1: {  	s2 =	sld [smem:$0x3FFE];
	_ =	sdelay $0x1  }
0x2: {  	s3 =	srdreg.scid  }
0x3: {  	s0 =	sand.u32 $0x1, s3  }
0x4: {  	s17 =	sshll.u32 s0, $0xA;
	s1 =	sadd.s32 s2, s1  }
0x5: {  	s1 =	sadd.s32 s1, s17  }
0x6: {  	[smem:$0x3FC5] =	sst s1  }
0x7: {  	_ = 	snop  }
0x8: {  	(tm) =	ssettm $0x1  }
0x9: {  	s18 =	sld [smem:$0x3FFB];
	_ =	sdelay $0x3  }
0xa: {  	_ =	strace s18  }
0xb: {  	s1 =	sld [smem:$0x3FFC];
	_ =	sdelay $0x3  }
0xc: {  	_ =	strace s1  }
0xd: {  	s1 =	sld [smem:$0x3FFD];
	_ =	sdelay $0x3  }
0xe: {  	_ =	strace s1  }
0xf: {  	_ =	strace $0x8FFFFFFF  }
0x10: {  	s19 =	sld [smem:$0x3FDB];
	_ =	sdelay $0x1  }
0x11: {  	s20 =	simm.s32 $_scs_section_size  }
0x12: {  	s4 =	simm.s32 $_size__tile_overlayer_lowered;
	s5 =	simm.s32 $_tile_overlayer_lowered  }
0x13: {  	s23 =	simm.s32 $0x1BFF;
	s22 =	sshll.u32 s5, $0x1;
	s1 =	sadd.s32 s20, s19  }
0x14: {  	s6 =	simm.s32 $0x0;
	s21 =	sshll.u32 s4, $0x1;
	s4 =	sadd.s32 s22, s1  }
0x15: {  	[timem:s6], [sflag:s23] =	dma.local [hbm:s4], s21  }
0x16: {  	_ =	swait.ge [sflag:s23], s21  }
0x17: {  	s2 =	ssub.s32 $0x0, s21;
	[sflag:s23] =	ssyncset.done $0x0  }
0x18: {  	[sflag:s23] =	ssyncadd.s32 s2;
	_ =	sdelay $0x1  }
0x19: {  	s24 =	simm.s32 $0x1B8B  }
0x1a: {  	_ =	swait.ge [sflag:s24], $0x1  }
0x1b: {  	[sflag:s24] =	ssyncset.done $0x0  }
0x1c: {  	s26 =	simm.s32 $0x1B8E;
	s25 =	sld [smem:$0x3FFE];
	[sflag:s24] =	ssyncadd.s32 $0xFFFFFFFF  }
0x1d: {  	s27 =	simm.s32 $execute0_lowered;
	[smem:$0x3FD2] =	sst s26  }
0x1e: {  	s4 =	sshll.u32 s27, $0x1;
	_ =	strace $0x80000046;
	[dreg:$0x1] =	wrdreg $0xFFFFFFFF  }
0x1f: {  	s28 =	simm.s32 $_size_execute0_lowered;
	s1 =	sadd.s32 s1, s4;
	[dreg:$0x0] =	wrdreg $0x0  }
0x20: {  	s4 =	sshll.u32 s28, $0x1;
	[dreg:$0x2] =	wrdreg s1  }
0x21: {  	[dreg:$0x3] =	wrdreg s4  }
0x22: {  	[dreg:$0x4] =	wrdreg $0xC0  }
0x23: {  	_ =	task [dreg:s6], $0x5FFFF  }
0x24: {  	[dreg:$0x1] =	wrdreg $0xFFFFFFFF  }
0x25: {  	[dreg:$0x0] =	wrdreg $0x60  }
0x26: {  	[dreg:$0x2] =	wrdreg s25  }
0x27: {  	[dreg:$0x3] =	wrdreg $0x9  }
0x28: {  	_ =	task.clear_ibuf [dreg:s6], $0x4FFFF;
	_ =	strace $0x90000046  }
0x29: {  	s29 =	simm.s32 $0x9;
	_ =	strace $0x80000048  }
0x2a: {  	_ =	swait.ge [sflag:s29], $0x1  }
0x2b: {  	[sflag:s29] =	ssyncadd.s32 $0xFFFFFFFF  }
0x2c: {  	_ =	strace $0x90000048  }
0x2d: {  	_ =	sfence  }
0x2e: {  	s30 =	sld [smem:$0x0];
	_ =	sdelay $0x2  }
0x2f: {  	s31 =	sshll.u32 s3, $0xD;
	s3 =	sshrl.u32 s3, $0x2  }
0x30: {  	s2 =	sand.u32 $0x4000, s31;
	s1 =	sadd.s32 s3, s30  }
0x31: {  	s0 =	sor.u32 s2, s0;
	s1 =	sshll.u32 s1, $0x11  }
0x32: {  	s0 =	sor.u32 s1, s0  }
0x33: {  	s0 =	sadd.s32 $0x8F2B, s0  }
0x34: {  	[sflag:s0] =	ssyncadd.remote.s32 $0x1  }
0x35: {  	_ =	sfence.sel $0xFFFF  }
0x36: {  	[dreg:$0x0] =	wrdreg $0xFFFFFFFF;
	(pc) =	sbr.abs _section_cstart, $3  }
0x37: {  	[dreg:$0x1] =	wrdreg $0xFFFFFFFF  }
0x38: {  	_ =	task.clear_ibuf [dreg:s6], $0x2FFFF;
	_ =	strace $0x9FFFFFFF  }
0x39: {  	(tm) =	ssettm $0x7FFFFFFF  }
tec
execute0_lowered:
.L_overlay_start_1:
0x0: {  	(tag) =	ssettag $0x1  }
0x1: {  	s1 =	rddreg [dreg:$0x0]  }
0x2: {  	s0 =	srdreg.scid;
	_ =	strace $0x80000047;
	s29 =	simm.s32 $0x1  }
0x3: {  	s31 =	simm.s32 $0x2;
	s15 =	simm.s32 $0x0;
	s17 =	simm.s32 $0x0  }
0x4: {  	s16 =	simm.s32 $0x0;
	s8 =	simm.s32 $0x0;
	s9 =	simm.s32 $0x0  }
0x5: {  	s11 =	simm.s32 $0x0;
	s12 =	stileid.u32;
	s0 =	sshll.u32 s0, $0x7  }
.Ltmp0:
0x6: {  	s28 =	sadd.s32 $0x37D000, s1;
	s2 =	sand.u32 $0x80, s0;
	(pc) =	sbr.rel .LBB1_1-.Ltmp0, $4  }
0x7: {  	s13 =	simm.s32 $0x0;
	[dreg:$0x3] =	wrdreg s28;
	s30 =	ssub.s32 $0x4E00, s2  }
0x8: {  	s14 =	simm.s32 $0x0;
	[dreg:$0x2] =	wrdreg s2;
	s0 =	sshrl.u32 s30, $0x8  }
0x9: {  	[sflag:s29] =	ssyncpa.u1 $0x0;
	[dreg:$0x4] =	wrdreg s0;
	s7 =	sadd.s32 $0x2, s0  }
0xa: {  	[sflag:s31] =	ssyncpa.u1 $0x0;
	s10 =	smov.u32 s2;
	[dreg:$0x5] =	wrdreg s7  }
.LBB1_14:
0xb: {  	s8 =	rddreg [dreg:$0x6]  }
0xc: {  	s11 =	rddreg [dreg:$0x9]  }
0xd: {  	s4 =	rddreg [dreg:$0x10]  }
0xe: {  	s24 =	rddreg [dreg:$0x12]  }
0xf: {  	s25 =	rddreg [dreg:$0x11]  }
0x10: {  	s9 =	rddreg [dreg:$0x7]  }
0x11: {  	s29 =	rddreg [dreg:$0x3]  }
0x12: {  	s30 =	rddreg [dreg:$0x13]  }
0x13: {  	s7 =	rddreg [dreg:$0x5]  }
0x14: {  	s10 =	rddreg [dreg:$0x8]  }
0x15: {  	s12 =	rddreg [dreg:$0xa]  }
0x16: {  	s13 =	rddreg [dreg:$0xb]  }
0x17: {  	s14 =	rddreg [dreg:$0xc]  }
0x18: {  	s15 =	rddreg [dreg:$0xd]  }
0x19: {  	s16 =	rddreg [dreg:$0xe];
	s0 =	sshll.u32 s8, $0x7  }
0x1a: {  	s1 =	sshll.u32 s11, $0x3;
	p0 =	sgt.s32 s11, $0x0;
	s3 =	smov.u32 s8  }
0x1b: {  	s26 =	smul.u32 $0x4E200, s9;
	s2 =	sand.u32 $0xFFFFFC00, s0;
	s1 =	sand.u32 $0xFFFFFC00, s1  }
0x1c: {  	s0 =	sand.u32 $0x380, s0;
	s1 =	sadd.s32 s1, s2;
	s2 =	smov.u32 s11  }
0x1d: {  	s0 =	sor.u32 s0, s1;
	s2 =	simm.s32 @!p0 $0x0;
	p0 =	sgt.s32 s8, $0x4DA0  }
0x1e: {  	s0 =	sshrl.u32 s0, $0x7;
	s2 =	sadd.s32 s2, s4;
	s3 =	simm.s32 @!p0 $0x4DA0  }
0x1f: {  	s23 =	smulhi.u32 $0x1A36E2F, s0;
	p0 =	sgt.s32 s2, $0x7F;
	s2 =	ssub.s32 $0x80, s2  }
0x20: {  	s27 =	sshrl.u32 s11, $0x3;
	s3 =	sadd.s32 s24, s3;
	s2 =	simm.s32 @p0 $0x0  }
0x21: {  	s4 =	sadd.s32 $0xFFFFB260, s3;
	s1 =	sshrl.u32 s23, $0x7;
	s2 =	smul.u32 s2, s25  }
0x22: {  	s3 =	ssub.s32 $0x4E20, s3;
	p0 =	sgt.s32 s4, $0x7F;
	s1 =	smul.u32 $0x4E20, s1  }
0x23: {  	s17 =	rddreg [dreg:$0xf];
	s28 =	sand.u32 $0xF, s27;
	s3 =	simm.s32 @p0 $0x0  }
0x24: {  	s2 =	smul.u32 s3, s2;
	s3 =	sadd.s32 s29, s26;
	s0 =	ssub.s32 s0, s1  }
0x25: {  	s31 =	sand.u32 $0x7, s11;
	s1 =	sadd.s32 s28, s3;
	s0 =	sshll.u32 s0, $0x4  }
0x26: {  	s3 =	sor.u32 $0x8000, s30;
	s2 =	sand.u32 $0x3FFFFFFF, s2;
	s0 =	sadd.s32 s0, s1  }
0x27: {  	[hbm4b:s0+s31] =	stream.linear.scatter [tilespmem:s3], [sflag:$0x2], s2, $0x20;
	[tilespmem:$0x10100] =	vst v63  }
.LBB1_15:
0x28: {  	p0 =	slt.u32 s14, $0x2  }
0x29: {  	s0 =	smov.u32 s17;
	p1 =	sgt.s32 @!p0 s17, $0xF  }
0x2a: {  	s2 =	smov.u32 s15;
	s1 =	sshra.s32 @!p0 s17, $0x1F;
	p1 =	por !p1, p0  }
0x2b: {  	s4 =	smov.u32 s12;
	s1 =	sand.u32 @!p0 s1, s17;
	s0 =	simm.s32 @p1 $0xF  }
0x2c: {  	p2 =	sgt.s32 @!p0 s15, $0x4DA0;
	s3 =	ssub.s32 @!p0 $0x0, s16;
	s0 =	ssub.s32 @!p0 s0, s1  }
0x2d: {  	p2 =	por !p2, p0;
	s3 =	smin.u32 @!p0 s16, s3;
	s1 =	sadd.s32 @!p0 $0xFFFFFFF1, s0  }
0x2e: {  	s2 =	simm.s32 @p2 $0x4DA0;
	p1 =	sgt.s32 @!p0 s1, $0x0;
	s1 =	sshra.s32 @!p0 s15, $0x1F  }
0x2f: {  	s0 =	ssub.s32 @!p0 $0x10, s0;
	s1 =	sand.u32 @!p0 s1, s15;
	p1 =	por !p1, p0  }
0x30: {  	s0 =	simm.s32 @!p1 $0x0;
	s1 =	ssub.s32 @!p0 s2, s1;
	p1 =	sgt.s32 @!p0 s3, $0x7F  }
0x31: {  	s3 =	ssub.s32 @!p0 $0x80, s3;
	s2 =	sadd.s32 @!p0 $0xFFFFB260, s1;
	p1 =	por !p1, p0  }
0x32: {  	s1 =	ssub.s32 @!p0 $0x4E20, s1;
	p2 =	sgt.s32 @!p0 s2, $0x7F;
	s3 =	simm.s32 @!p1 $0x0  }
0x33: {  	s2 =	sadd.s32 $0x100, s10;
	p1 =	por !p2, p0;
	s0 =	smul.u32 @!p0 s3, s0  }
0x34: {  	s3 =	sadd.s32 $0x10, s12;
	s1 =	simm.s32 @!p1 $0x0;
	p1 =	sgt.s32 s2, $0x4E1F  }
0x35: {  	s5 =	rddreg [dreg:$0x2];
	s0 =	smul.u32 @!p0 s1, s0;
	s4 =	smov.u32 @p1 s3  }
0x36: {  	s1 =	sadd.s32 $0x80, s13;
	s3 =	smov.u32 s13;
	p2 =	sgt.s32 s4, $0xF  }
0x37: {  	s17 =	smov.u32 s9;
	s16 =	smov.u32 s11;
	s3 =	smov.u32 @p2 s1  }
0x38: {  	s9 =	smov.u32 s12;
	s2 =	smov.u32 @p1 s5;
	p1 =	sgt.s32 s3, $0x5A  }
0x39: {  	s11 =	smov.u32 s13;
	s3 =	simm.s32 @p1 $0x0;
	p1 =	sne.s32 s14, s7  }
.Ltmp1:
0x3a: {  	s15 =	smov.u32 s8;
	s8 =	smov.u32 s10;
	(pc) =	sbr.rel @!p1 .LBB1_16-.Ltmp1, $4  }
0x3b: {  	s5 =	stileid.u32;
	s0 =	sand.u32 @!p0 $0x3FFFFFFF, s0;
	s1 =	simm.s32 @!p0 $0x2  }
0x3c: {  	s10 =	smov.u32 s2;
	s4 =	smov.u32 @p2 s5;
	_ =	swait.ge @!p0 [sflag:s1], s0  }
0x3d: {  	s0 =	ssub.s32 @!p0 $0x0, s0;
	s12 =	smov.u32 s4;
	[sflag:s1] =	ssyncset.done @!p0 $0x0  }
0x3e: {  	s14 =	sadd.s32 $0x1, s14;
	[sflag:s1] =	ssyncadd.s32 @!p0 s0;
	s13 =	smov.u32 s3  }
.LBB1_1:
0x3f: {  	s0 =	rddreg [dreg:$0x4]  }
0x40: {  	s4 =	smov.u32 s12;
	p0 =	sgt.u32 s14, s0  }
0x41: {  	s5 =	smov.u32 s10;
	s0 =	sshrl.u32 @!p0 s12, $0x3;
	s1 =	sshll.u32 @!p0 s10, $0x3  }
0x42: {  	s2 =	sshll.u32 @!p0 s12, $0x7;
	p1 =	sgt.s32 @!p0 s13, $0xFFFFFFDB;
	s3 =	sshra.s32 @!p0 s13, $0x1F  }
0x43: {  	p2 =	sgt.s32 @!p0 s12, $0xF;
	s6 =	sshra.s32 @!p0 s10, $0x1F;
	s0 =	smul.u32 @!p0 $0x27400, s0  }
0x44: {  	s1 =	sand.u32 @!p0 $0xFFFFFC00, s1;
	p1 =	por !p1, p0;
	s3 =	sand.u32 @!p0 s3, s13  }
0x45: {  	s6 =	sand.u32 @!p0 s6, s10;
	s0 =	sadd.s32 @!p0 s0, s1;
	s1 =	sand.u32 @!p0 $0x380, s2  }
0x46: {  	s2 =	sand.u32 @!p0 $0x7F, s10;
	s0 =	sor.u32 @!p0 s1, s0;
	s1 =	smov.u32 s13  }
0x47: {  	s1 =	simm.s32 @p1 $0xFFFFFFDB;
	p1 =	por !p2, p0;
	s2 =	sor.u32 @!p0 s2, s0  }
0x48: {  	s0 =	smulhi.u32 @!p0 $0x342DA7F3, s0;
	s4 =	simm.s32 @p1 $0xF;
	p1 =	sgt.s32 @!p0 s10, $0x4E00  }
0x49: {  	s1 =	ssub.s32 @!p0 s1, s3;
	s3 =	sshra.s32 @!p0 s12, $0x1F;
	p1 =	por !p1, p0  }
0x4a: {  	s3 =	sand.u32 @!p0 s3, s12;
	s0 =	sshrl.u32 @!p0 s0, $0xC;
	s5 =	simm.s32 @p1 $0x4E00  }
0x4b: {  	s3 =	ssub.s32 @!p0 s4, s3;
	s4 =	sadd.s32 @!p0 $0x25, s1;
	s1 =	ssub.s32 @!p0 $0x5B, s1  }
0x4c: {  	s0 =	sand.u32 @!p0 $0xF, s0;
	s5 =	ssub.s32 @!p0 s5, s6;
	p1 =	sgt.s32 @!p0 s4, $0x7F  }
0x4d: {  	s4 =	sadd.s32 @!p0 $0xFFFFFFF1, s3;
	s3 =	ssub.s32 @!p0 $0x10, s3;
	s0 =	smul.u32 @!p0 $0x9D0, s0  }
0x4e: {  	p2 =	sgt.s32 @!p0 s4, $0x0;
	s4 =	smulhi.u32 @!p0 $0x342DA7F3, s2;
	p1 =	por !p1, p0  }
0x4f: {  	s6 =	sadd.s32 @!p0 $0xFFFFB200, s5;
	s1 =	simm.s32 @!p1 $0x0;
	p1 =	por !p2, p0  }
0x50: {  	p3 =	sgt.s32 @!p0 s6, $0x7F;
	s3 =	simm.s32 @!p1 $0x0;
	s4 =	sshrl.u32 @!p0 s4, $0xC  }
0x51: {  	p1 =	por !p3, p0;
	s1 =	smul.u32 @!p0 s1, s3;
	s3 =	ssub.s32 @!p0 $0x4E80, s5  }
0x52: {  	s4 =	smul.u32 @!p0 $0x4E80, s4;
	s3 =	simm.s32 @!p1 $0x0  }
0x53: {  	s5 =	sxor.u32 @!p0 $0xFFFFFFFF, s14;
	s1 =	smul.u32 @!p0 s3, s1  }
0x54: {  	s3 =	sshll.u32 @!p0 s5, $0xE;
	s5 =	smul.u32 @!p0 $0x9D00, s13  }
0x55: {  	s2 =	ssub.s32 @!p0 s2, s4;
	s4 =	rddreg [dreg:$0x0];
	s3 =	sand.u32 @!p0 $0x4000, s3  }
0x56: {  	s1 =	sand.u32 @!p0 $0x3FFFFFFF, s1;
	s4 =	sadd.s32 @!p0 s4, s5;
	s5 =	sand.u32 @!p0 $0x7, s2  }
0x57: {  	s2 =	sshrl.u32 @!p0 s2, $0x3;
	s0 =	sadd.s32 @!p0 s0, s4;
	s4 =	sshll.u32 @!p0 s5, $0x12  }
0x58: {  	s0 =	sadd.s32 @!p0 s2, s0;
	s2 =	sor.u32 @!p0 $0x80, s4;
	s4 =	simm.s32 @!p0 $0x4E800  }
0x59: {  	[tilespmem:s3], [sflag:$0x1] =	stream.strided.gather @!p0 [hbm4b:s0+s2], s1, s4, s2, $0x38;
	[tilespmem:$0x10100] =	vst v63  }
0x5a: {  	p0 =	seq.s32 s14, $0x0  }
0x5b: {  	p1 =	sge.u32 @!p0 s14, s7  }
0x5c: {  	p0 =	por p0, p1  }
.Ltmp2:
0x5d: {  	_ = 	snop;
	(pc) =	sbr.rel @p0 .LBB1_15-.Ltmp2, $1  }
0x5e: {  	_ =	sdelay $0x3  }
0x5f: {  	[dreg:$0xf] =	wrdreg s17  }
0x60: {  	[dreg:$0xe] =	wrdreg s16  }
0x61: {  	[dreg:$0xd] =	wrdreg s15  }
0x62: {  	[dreg:$0xb] =	wrdreg s13;
	s0 =	ssub.s32 $0x0, s11;
	s1 =	sshra.s32 s11, $0x1F  }
0x63: {  	p0 =	sgt.s32 s11, $0xFFFFFFDB;
	s2 =	smov.u32 s11;
	s27 =	sshra.s32 s9, $0x1F  }
0x64: {  	p1 =	sgt.s32 s8, $0x4E00;
	s4 =	ssub.s32 $0x0, s8;
	s5 =	sshra.s32 s8, $0x1F  }
0x65: {  	s0 =	sand.u32 s0, s1;
	s2 =	simm.s32 @!p0 $0xFFFFFFDB;
	p0 =	sgt.s32 s9, $0xF  }
0x66: {  	s1 =	smov.u32 s9;
	s28 =	sand.u32 s4, s5;
	[dreg:$0x10] =	wrdreg s0  }
0x67: {  	s0 =	sadd.s32 s0, s2;
	s1 =	simm.s32 @!p0 $0xF;
	s2 =	sand.u32 s27, s9  }
0x68: {  	s3 =	sadd.s32 $0x25, s0;
	s1 =	ssub.s32 s1, s2;
	s0 =	ssub.s32 $0x5B, s0  }
0x69: {  	p0 =	sgt.s32 s3, $0x7F;
	s2 =	sadd.s32 $0xFFFFFFF1, s1;
	s3 =	smov.u32 s8  }
0x6a: {  	s3 =	simm.s32 @!p1 $0x4E00;
	p1 =	sgt.s32 s2, $0x0;
	s2 =	ssub.s32 $0x10, s1  }
0x6b: {  	s0 =	simm.s32 @p0 $0x0;
	s2 =	simm.s32 @p1 $0x0;
	s1 =	sadd.s32 s28, s3  }
0x6c: {  	[dreg:$0x11] =	wrdreg s2;
	s0 =	smul.u32 s0, s2;
	s29 =	sadd.s32 $0xFFFFB200, s1  }
0x6d: {  	s1 =	ssub.s32 $0x4E80, s1;
	s2 =	sadd.s32 $0x80, s11;
	p0 =	sgt.s32 s29, $0x7F  }
0x6e: {  	s3 =	sadd.s32 $0x1, s9;
	s1 =	simm.s32 @p0 $0x0;
	p0 =	slt.s32 s2, $0x5B  }
0x6f: {  	[dreg:$0xa] =	wrdreg s12;
	s2 =	simm.s32 @!p0 $0x5B;
	p0 =	slt.s32 s3, $0x10  }
0x70: {  	[dreg:$0x8] =	wrdreg s10;
	s22 =	ssub.s32 s2, s11;
	s3 =	simm.s32 @!p0 $0x10  }
0x71: {  	[dreg:$0x6] =	wrdreg s8;
	s23 =	ssub.s32 s3, s9;
	p0 =	slt.s32 s22, $0x1  }
0x72: {  	[dreg:$0x9] =	wrdreg s11;
	p1 =	slt.s32 @!p0 s23, $0x1  }
0x73: {  	[dreg:$0x7] =	wrdreg s9;
	s0 =	smul.u32 s1, s0;
	p1 =	por p0, p1  }
.Ltmp3:
0x74: {  	[dreg:$0xc] =	wrdreg s14;
	s30 =	simm.s32 $0x1;
	(pc) =	sbr.rel @p1 .LBB1_14-.Ltmp3, $4  }
0x75: {  	[dreg:$0x12] =	wrdreg s28;
	s1 =	sand.u32 $0x3FFFFFFF, s0;
	s0 =	sand.u32 $0x1, s14  }
0x76: {  	_ =	swait.ge [sflag:s30], s1;
	s31 =	smul.u32 $0x4080, s0  }
0x77: {  	s1 =	ssub.s32 $0x0, s1;
	[sflag:s30] =	ssyncset.done $0x0  }
0x78: {  	[sflag:s30] =	ssyncadd.s32 s1;
	[dreg:$0x13] =	wrdreg s31  }
0x79: {  	s2 =	rddreg [dreg:$0x6]  }
0x7a: {  	s1 =	sadd.s32 $0x80, s2  }
0x7b: {  	p1 =	slt.s32 s1, $0x4E20  }
.Ltmp4:
0x7c: {  	s1 =	simm.s32 @!p1 $0x4E20;
	(pc) =	sbr.rel .LBB1_4-.Ltmp4, $4  }
0x7d: {  	s1 =	ssub.s32 s1, s2  }
0x7e: {  	s26 =	sshll.u32 @!p0 s0, $0xE;
	s0 =	rddreg [dreg:$0x13];
	s1 =	sadd.s32 $0xF, s1  }
0x7f: {  	s28 =	simm.s32 $0x0;
	s24 =	sand.u32 $0xFFFFFFF0, s1;
	s25 =	sand.u32 @!p0 $0xFFFFFF00, s1  }
0x80: {  	s27 =	sor.u32 @!p0 $0x8000, s0;
	p0 =	slt.s32 s1, $0x100;
	p1 =	sge.s32 s25, s24  }
.LBB1_13:
0x81: {  	s28 =	sadd.s32 $0x1, s28  }
0x82: {  	p2 =	sne.s32 s28, s22  }
.Ltmp5:
0x83: {  	_ = 	snop;
	(pc) =	sbr.rel @!p2 .LBB1_14-.Ltmp5, $1  }
0x84: {  	_ =	sdelay $0x3  }
.LBB1_4:
0x85: {  	s29 =	sshrl.u32 s28, $0x4;
	s0 =	sshll.u32 s28, $0x3;
	s1 =	sshll.u32 s28, $0x9  }
0x86: {  	s2 =	sand.u32 $0x78, s29;
	s3 =	sadd.s32 $0x800, s0;
	s5 =	sadd.s32 $0x1000, s0  }
0x87: {  	s6 =	sadd.s32 $0x1800, s0;
	s7 =	sadd.s32 $0x2800, s0;
	s20 =	sadd.s32 $0x3000, s0  }
0x88: {  	s4 =	smul.u32 $0x204, s2;
	s3 =	sshrl.u32 s3, $0x7;
	s2 =	sxor.u32 $0x40, s2  }
0x89: {  	s5 =	sshrl.u32 s5, $0x7;
	s3 =	sand.u32 $0x78, s3;
	s8 =	smul.u32 $0x204, s2  }
0x8a: {  	s6 =	sshrl.u32 s6, $0x7;
	s5 =	sand.u32 $0x78, s5;
	s3 =	smul.u32 $0x204, s3  }
0x8b: {  	s19 =	sshrl.u32 s7, $0x7;
	s6 =	sand.u32 $0x78, s6;
	s5 =	smul.u32 $0x204, s5  }
0x8c: {  	s7 =	sshrl.u32 s20, $0x7;
	s2 =	sand.u32 $0x78, s19;
	s6 =	smul.u32 $0x204, s6  }
0x8d: {  	s0 =	sadd.s32 $0x3800, s0;
	s21 =	sand.u32 $0x78, s7;
	s9 =	smul.u32 $0x204, s2  }
0x8e: {  	s30 =	sand.u32 $0x7F, s28;
	s0 =	sshrl.u32 s0, $0x7;
	s7 =	smul.u32 $0x204, s21  }
.Ltmp6:
0x8f: {  	s1 =	sshra.s32 s1, $0x2;
	s0 =	sand.u32 $0x78, s0;
	(pc) =	sbr.rel .LBB1_5-.Ltmp6, $4  }
0x90: {  	s18 =	simm.s32 $0x0;
	s31 =	sadd.s32 s1, s26;
	s10 =	smul.u32 $0x204, s0  }
0x91: {  	s0 =	sadd.s32 s30, s27;
	s1 =	sshrl.u32 s4, $0x2;
	s2 =	sshrl.u32 s3, $0x2  }
0x92: {  	s4 =	sshrl.u32 s5, $0x2;
	s5 =	sshrl.u32 s6, $0x2;
	s6 =	sshrl.u32 s8, $0x2  }
0x93: {  	s3 =	sshrl.u32 s9, $0x2;
	s7 =	sshrl.u32 s7, $0x2;
	s21 =	sshrl.u32 s10, $0x2  }
.LBB1_12:
0x94: {  	s18 =	sadd.s32 $0x1, s18  }
0x95: {  	p2 =	sne.s32 s18, s23  }
.Ltmp7:
0x96: {  	_ = 	snop;
	(pc) =	sbr.rel @!p2 .LBB1_13-.Ltmp7, $1  }
0x97: {  	_ =	sdelay $0x3  }
.LBB1_5:
.Ltmp8:
0x98: {  	(pc) =	sbr.rel @p0 .LBB1_9-.Ltmp8, $2  }
0x99: {  	_ =	sdelay $0x2  }
0x9a: {  	s20 =	smul.u32 $0x10200, s18  }
0x9b: {  	s9 =	sshll.u32 s18, $0x7  }
0x9c: {  	s8 =	sshra.s32 s20, $0x2;
	s17 =	sand.u32 $0x380, s9  }
0x9d: {  	s10 =	sadd.s32 s8, s27;
	s16 =	sadd.s32 s17, s31  }
0x9e: {  	s19 =	sadd.s32 s1, s10;
	v0 =	vld [tilespmem:s16+$0x70]  }
0x9f: {  	s11 =	sadd.s32 s2, s10;
	s12 =	sadd.s32 s5, s10;
	s13 =	sadd.s32 s6, s10;
	v3 =	vld [tilespmem:s16+$0x60]  }
0xa0: {  	s14 =	sadd.s32 s3, s10;
	v1 =	vld [tilespmem:s16+$0x50];
	s15 =	sadd.s32 s30, s11;
	s17 =	sadd.s32 s30, s12  }
0xa1: {  	v2 =	vld [tilespmem:s16+$0x40];
	s9 =	sadd.s32 s30, s13;
	s13 =	sadd.s32 s7, s10;
	s12 =	sadd.s32 s21, s10  }
0xa2: {  	v4 =	vld [tilespmem:s16+$0x30];
	s11 =	sadd.s32 s4, s10;
	s10 =	sadd.s32 s30, s13;
	s13 =	sadd.s32 s30, s12  }
0xa3: {  	v5 =	vld [tilespmem:s16+$0x20];
	[tilespmem:s13+$0x0 ss:$0x81] =	vst.msk $0xffff, v0  }
0xa4: {  	v6 =	vld [tilespmem:s16+$0x10];
	s14 =	sadd.s32 s30, s14;
	[tilespmem:s10+$0x0 ss:$0x81] =	vst.msk $0xffff, v3  }
0xa5: {  	v7 =	vld [tilespmem:s16+$0x0];
	[tilespmem:s14+$0x0 ss:$0x81] =	vst.msk $0xffff, v1  }
0xa6: {  	[tilespmem:s9+$0x0 ss:$0x81] =	vst.msk $0xffff, v2  }
0xa7: {  	s8 =	sadd.s32 s30, s11;
	[tilespmem:s17+$0x0 ss:$0x81] =	vst.msk $0xffff, v4  }
0xa8: {  	p2 =	sgt.s32 s25, $0x100;
	[tilespmem:s8+$0x0 ss:$0x81] =	vst.msk $0xffff, v5  }
.Ltmp9:
0xa9: {  	s19 =	sadd.s32 s30, s19;
	[tilespmem:s15+$0x0 ss:$0x81] =	vst.msk $0xffff, v6;
	(pc) =	sbr.rel @!p2 .LBB1_8-.Ltmp9, $4  }
0xaa: {  	[tilespmem:s19+$0x0 ss:$0x81] =	vst.msk $0xffff, v7  }
0xab: {  	[tilespmem:s19+$0x0 ss:$0x81] =	vst.msk $0xffff, v7  }
0xac: {  	[tilespmem:s15+$0x0 ss:$0x81] =	vst.msk $0xffff, v6  }
0xad: {  	s11 =	simm.s32 $0x100;
	[tilespmem:s8+$0x0 ss:$0x81] =	vst.msk $0xffff, v5  }
.LBB1_7:
0xae: {  	v5 =	vld [tilespmem:s16+$0x70];
	[tilespmem:s17+$0x0 ss:$0x81] =	vst.msk $0xffff, v4  }
0xaf: {  	v6 =	vld [tilespmem:s16+$0x60];
	[tilespmem:s9+$0x0 ss:$0x81] =	vst.msk $0xffff, v2  }
0xb0: {  	[tilespmem:s14+$0x0 ss:$0x81] =	vst.msk $0xffff, v1;
	v1 =	vld [tilespmem:s16+$0x50]  }
0xb1: {  	v2 =	vld [tilespmem:s16+$0x40];
	[tilespmem:s10+$0x0 ss:$0x81] =	vst.msk $0xffff, v3  }
0xb2: {  	v4 =	vld [tilespmem:s16+$0x30];
	[tilespmem:s13+$0x0 ss:$0x81] =	vst.msk $0xffff, v0  }
0xb3: {  	v7 =	vld [tilespmem:s16+$0x20];
	[tilespmem:s13+$0x0 ss:$0x81] =	vst.msk $0xffff, v5;
	v0 =	vmov v5  }
0xb4: {  	v5 =	vld [tilespmem:s16+$0x10];
	[tilespmem:s10+$0x0 ss:$0x81] =	vst.msk $0xffff, v6;
	v3 =	vmov v6  }
0xb5: {  	s11 =	sadd.s32 $0x100, s11;
	v6 =	vld [tilespmem:s16+$0x0];
	[tilespmem:s14+$0x0 ss:$0x81] =	vst.msk $0xffff, v1  }
0xb6: {  	p2 =	slt.s32 s11, s25;
	[tilespmem:s9+$0x0 ss:$0x81] =	vst.msk $0xffff, v2  }
0xb7: {  	[tilespmem:s17+$0x0 ss:$0x81] =	vst.msk $0xffff, v4  }
0xb8: {  	[tilespmem:s8+$0x0 ss:$0x81] =	vst.msk $0xffff, v7  }
.Ltmp10:
0xb9: {  	[tilespmem:s15+$0x0 ss:$0x81] =	vst.msk $0xffff, v5;
	(pc) =	sbr.rel @p2 .LBB1_7-.Ltmp10, $4  }
0xba: {  	[tilespmem:s19+$0x0 ss:$0x81] =	vst.msk $0xffff, v6  }
0xbb: {  	[tilespmem:s19+$0x0 ss:$0x81] =	vst.msk $0xffff, v6  }
0xbc: {  	[tilespmem:s15+$0x0 ss:$0x81] =	vst.msk $0xffff, v5  }
0xbd: {  	[tilespmem:s8+$0x0 ss:$0x81] =	vst.msk $0xffff, v7  }
.LBB1_8:
0xbe: {  	[tilespmem:s17+$0x0 ss:$0x81] =	vst.msk $0xffff, v4  }
0xbf: {  	[tilespmem:s9+$0x0 ss:$0x81] =	vst.msk $0xffff, v2  }
0xc0: {  	[tilespmem:s14+$0x0 ss:$0x81] =	vst.msk $0xffff, v1  }
0xc1: {  	[tilespmem:s10+$0x0 ss:$0x81] =	vst.msk $0xffff, v3  }
0xc2: {  	[tilespmem:s13+$0x0 ss:$0x81] =	vst.msk $0xffff, v0  }
.LBB1_9:
.Ltmp11:
0xc3: {  	(pc) =	sbr.rel @p1 .LBB1_12-.Ltmp11, $1  }
0xc4: {  	_ =	sdelay $0x3  }
0xc5: {  	s8 =	sand.u32 $0x7, s18  }
0xc6: {  	s8 =	sadd.s32 s28, s8  }
0xc7: {  	s8 =	sshll.u32 s8, $0x9  }
0xc8: {  	s8 =	sshra.s32 s8, $0x2  }
0xc9: {  	s9 =	sadd.s32 s8, s26  }
0xca: {  	v0 =	vmov s9  }
0xcb: {  	s20 =	sshra.s32 s20, $0x2  }
0xcc: {  	s8 =	sadd.s32 s20, s0;
	s9 =	smov.u32 s25  }
.LBB1_11:
0xcd: {  	s11 =	sadd.s32 s9, s29  }
0xce: {  	s10 =	sand.u32 $0x70, s9;
	s9 =	sadd.s32 $0x10, s9;
	s20 =	sand.u32 $0x78, s11  }
0xcf: {  	v1 =	vld.idx.msk [tilespmem:v0+s10+$0x0 ss:$0x1], $0xffff;
	p2 =	slt.s32 s9, s24;
	s10 =	smul.u32 $0x204, s20  }
.Ltmp12:
0xd0: {  	_ = 	snop;
	(pc) =	sbr.rel @p2 .LBB1_11-.Ltmp12, $4  }
0xd1: {  	_ = 	snop  }
0xd2: {  	s10 =	sshrl.u32 s10, $0x2  }
0xd3: {  	s10 =	sadd.s32 s10, s8  }
0xd4: {  	[tilespmem:s10+$0x0 ss:$0x81] =	vst.msk $0xffff, v1  }
.Ltmp13:
0xd5: {  	_ = 	snop;
	(pc) =	sbr.rel .LBB1_12-.Ltmp13, $1  }
0xd6: {  	_ =	sdelay $0x3  }
.LBB1_16:
0xd7: {  	_ =	sfence.sel $0x180000  }
0xd8: {  	s0 =	simm.s32 $0x1;
	[bflag:$0x0] =	sbarrier.arrive $0xFFFF  }
0xd9: {  	s30 =	simm.s32 $0x2;
	[sflag:s0] =	ssyncpa.u1 $0x1  }
0xda: {  	[sflag:s30] =	ssyncpa.u1 $0x1  }
0xdb: {  	_ =	strace $0x90000047  }
0xdc: {  	s31 =	stileid.u32;
	[bflag:$0x2] =	sbarrier.arrive $0xFFFF  }
0xdd: {  	p0 =	sne.s32 s31, $0x0;
	s0 =	rddreg [dreg:$0x1]  }
0xde: {  	s0 =	sadd.s32 @!p0 $0x100000, s0  }
0xdf: {  	[sflag:s0] =	ssyncadd.tile.s32 @!p0 $0x1;
	_ =	shalt  }
.Lfunc_end1:
_tile_overlayer_lowered:
.L_overlay_start_2:
0xe0: {  	(tag) =	ssettag $0x2  }
0xe1: {  	s0 =	rddreg [dreg:$0x0];
	s2 =	stileid.u32  }
0xe2: {  	s1 =	rddreg [dreg:$0x1];
	p0 =	sne.s32 s2, $0x0  }
0xe3: {  	s3 =	rddreg [dreg:$0x2];
	[bflag:$0x3] =	sbarrier.arrive $0xFFFF;
	s2 =	simm.s32 @!p0 $0x1C01  }
0xe4: {  	[timem:s3], [sflag:s2] =	dma.local @!p0 [hbm:s0], s1  }
0xe5: {  	s0 =	simm.s32 @!p0 $0x1  }
0xe6: {  	_ =	swait.ge @!p0 [sflag:s0], s1  }
0xe7: {  	s1 =	ssub.s32 @!p0 $0x0, s1;
	[sflag:s0] =	ssyncset.done @!p0 $0x0  }
0xe8: {  	[sflag:s0] =	ssyncadd.s32 @!p0 s1  }
0xe9: {  	[bflag:$0x3] =	sbarrier.arrive $0xFFFF  }
0xea: {  	_ =	shalt  }

</sc_bundles>
